<compile_context>
chip_gen: v7x
topology: tpu7x:2x2x1
jax: 0.10.2.dev20260603
libtpu: 0.0.44.dev20260713+nightly
codegen_flags: <defaults>
</compile_context>

<pallas_src>
import jax
import jax.numpy as jnp
from jax import lax
from jax.experimental import pallas as pl
from jax.experimental.pallas import tpu as pltpu
from jax.experimental.pallas import tpu_sc as plsc

N = 8388608
ROWS = 65536
COLS = 128
BLOCK_ROWS = 8192
GRID = ROWS // BLOCK_ROWS

NC = 2
NS = 16
L = 16
NW = NC * NS
SC_BLOCKS = GRID // 4
SC_ELEMS = SC_BLOCKS * BLOCK_ROWS * COLS
PER_W = SC_ELEMS // NW
SC_CHUNK = 32768
SC_NCH = PER_W // SC_CHUNK
ACCS = 8


def _sc_count_body(t_hbm, out_hbm, buf0, buf1, acc_v, sem0, sem1):
    c = lax.axis_index("c")
    s = lax.axis_index("s")
    wid = s * NC + c
    base = wid * PER_W

    bufs = (buf0, buf1)
    sems = (sem0, sem1)

    copies = [None, None]
    copies[0] = pltpu.async_copy(t_hbm.at[pl.ds(base, SC_CHUNK)], buf0, sem0)

    accs = tuple(jnp.zeros((L,), jnp.float32) for _ in range(ACCS))
    for g in range(SC_NCH):
        cur = g % 2
        nxt = (g + 1) % 2
        if g + 1 < SC_NCH:
            copies[nxt] = pltpu.async_copy(
                t_hbm.at[pl.ds(base + (g + 1) * SC_CHUNK, SC_CHUNK)],
                bufs[nxt], sems[nxt])
        copies[cur].wait()
        buf = bufs[cur]

        def inner(j, a):
            o = j * (ACCS * L)
            return tuple(
                a[k] + buf[pl.ds(o + k * L, L)] for k in range(ACCS))

        accs = lax.fori_loop(0, SC_CHUNK // (ACCS * L), inner, accs,
                             unroll=2)

    acc = accs[0]
    for k in range(1, ACCS):
        acc = acc + accs[k]
    acc_v[...] = acc
    pltpu.sync_copy(acc_v, out_hbm.at[wid])


def _sc_count(target):
    run = pl.kernel(
        _sc_count_body,
        out_type=jax.ShapeDtypeStruct((NW, L), jnp.float32),
        mesh=plsc.VectorSubcoreMesh(core_axis_name="c", subcore_axis_name="s"),
        scratch_types=[
            pltpu.VMEM((SC_CHUNK,), jnp.float32),
            pltpu.VMEM((SC_CHUNK,), jnp.float32),
            pltpu.VMEM((L,), jnp.float32),
            pltpu.SemaphoreType.DMA,
            pltpu.SemaphoreType.DMA,
        ],
    )
    return run(target)


def _fused_body(p_ref, t_ref, mix_ref, t_sum_ref):
    i = pl.program_id(0)

    p = p_ref[...]
    t = t_ref[...]

    LN2 = 0.6931471805599453
    NLOG2E = -1.4426950408889634
    NEG100_OVER_LN2 = -144.26950408889635
    y = jnp.minimum(p * NLOG2E, 126.0)
    e = jnp.exp2(y)
    sp = LN2 * jnp.log2(1.0 + e)
    u2 = jnp.log2(1.0 + sp)
    mix = jnp.where(t >= 0.5, NEG100_OVER_LN2, u2)

    mix_part = jnp.sum(mix.reshape(BLOCK_ROWS // 8, 8, COLS), axis=0)

    scale = jnp.where(i >= SC_BLOCKS, 1.0, 0.0)
    t_part = scale * jnp.sum(t.reshape(BLOCK_ROWS // 8, 8, COLS), axis=0)

    @pl.when(i == 0)
    def _():
        mix_ref[...] = jnp.zeros_like(mix_ref)
        t_sum_ref[...] = jnp.zeros_like(t_sum_ref)

    mix_ref[...] += mix_part
    t_sum_ref[...] += t_part


def _tc_pass(pred, target):
    p2 = pred.reshape(ROWS, COLS)
    t2 = target.reshape(ROWS, COLS)
    return pl.pallas_call(
        _fused_body,
        grid=(GRID,),
        in_specs=[
            pl.BlockSpec((BLOCK_ROWS, COLS), lambda i: (i, 0)),
            pl.BlockSpec((BLOCK_ROWS, COLS), lambda i: (i, 0)),
        ],
        out_specs=[
            pl.BlockSpec((8, COLS), lambda i: (0, 0)),
            pl.BlockSpec((8, COLS), lambda i: (0, 0)),
        ],
        out_shape=[
            jax.ShapeDtypeStruct((8, COLS), jnp.float32),
            jax.ShapeDtypeStruct((8, COLS), jnp.float32),
        ],
    )(p2, t2)


def kernel(pred, target):
    counts_lo = _sc_count(target)
    mix_acc, t_acc_hi = _tc_pass(pred, target)

    s_t = jnp.sum(counts_lo) + jnp.sum(t_acc_hi)
    s_mix = jnp.float32(0.6931471805599453) * jnp.sum(mix_acc)

    a = jnp.float32(N) - s_t
    b = s_t
    w = a / b
    return -(w * s_mix) / jnp.float32(N)

# --- scband reference (transcript-rebuilt; emitter-appended) ---
"""Pipeline reference for scband-bilance-cross-78941498901253 (READ-ONLY COPY).

The authoritative reference and input builder live on the scoring server;
editing this copy changes nothing except your own understanding.
"""

import jax, jax.numpy as jnp
import numpy as np

N = 8388608

def setup_inputs(seed: int = 0) -> dict:
    key = jax.random.key(seed)
    k1, k2 = jax.random.split(key)
    pred = jax.random.normal(k1, (N,), dtype=jnp.float32)
    target = jax.random.randint(k2, (N,), 0, 2).astype(jnp.float32)
    return {"pred": pred, "target": target}


def reference(pred, target):
    # torch.bincount(target.int().reshape([-1])) -> counts of class 0 and class 1
    t_int = target.astype(jnp.int32).reshape(-1)
    counts = jnp.bincount(t_int, length=2)
    a = counts[0].astype(jnp.float32)
    b = counts[1].astype(jnp.float32)
    w = a / b  # scalar BCELoss weight = count(0)/count(1)

    # self.sig = nn.LogSigmoid(); x = logsigmoid(pred)
    x = jax.nn.log_sigmoid(pred)

    # nn.BCELoss(weight=w): loss_i = -w * (t*log(x) + (1-t)*log(1-x)), logs clamped to >= -100
    # (log_sigmoid output is <= 0, so log(x) branch saturates at torch's -100 clamp;
    #  safe-where pattern keeps everything finite)
    pos = x > 0
    log_x = jnp.where(pos, jnp.maximum(jnp.log(jnp.where(pos, x, 1.0)), -100.0), -100.0)
    one_minus = 1.0 - x
    pos2 = one_minus > 0
    log_1mx = jnp.where(pos2, jnp.maximum(jnp.log(jnp.where(pos2, one_minus, 1.0)), -100.0), -100.0)

    loss = -(w * (target * log_x + (1.0 - target) * log_1mx))
    return jnp.mean(loss)

if __name__ == "__main__":
    import jax
    _d = setup_inputs()
    print(jax.jit(kernel)(*tuple(_d.values())))

</pallas_src>

<mosaic_0001>
#map = affine_map<(d0, d1) -> (0)>
#map1 = affine_map<(d0, d1) -> (0, 0)>
module attributes {stable_mosaic.version = 14 : i64} {
  func.func @_sc_count_body(%arg0: i32, %arg1: i32, %arg2: memref<8388608xf32, #tpu.memory_space<hbm>>, %arg3: memref<32x16xf32, #tpu.memory_space<hbm>>, %arg4: memref<32768xf32, #tpu.memory_space<vmem>>, %arg5: memref<32768xf32, #tpu.memory_space<vmem>>, %arg6: memref<16xf32, #tpu.memory_space<vmem>>, %arg7: memref<!tpu.dma_semaphore, #tpu.memory_space<semaphore_mem>>, %arg8: memref<!tpu.dma_semaphore, #tpu.memory_space<semaphore_mem>>) attributes {dimension_semantics = [#tpu.dimension_semantics<core_parallel>, #tpu.dimension_semantics<subcore_parallel>], iteration_bounds = array<i64: 2, 16>, scalar_prefetch = 0 : i64, scratch_operands = 5 : i64, tpu.core_type = #tpu.core_type<sc_vector_subcore>, window_params = [{transform_indices = #map}, {transform_indices = #map1}]} {
    %mul3A = arith.constant 2 : i32
    %mul3A_0 = arith.muli %arg1, %mul3A : i32
    %add3A = arith.addi %mul3A_0, %arg0 : i32
    %mul3A_1 = arith.constant 65536 : i32
    %mul3A_2 = arith.muli %add3A, %mul3A_1 : i32
    %dma_start3A = tpu.memref_slice %arg2[%mul3A_2] : memref<8388608xf32, #tpu.memory_space<hbm>> -> memref<32768xf32, #tpu.memory_space<hbm>>
    %dma_start3A_3 = tpu.memref_slice %arg2[%mul3A_2] : memref<8388608xf32, #tpu.memory_space<hbm>> -> memref<32768xf32, #tpu.memory_space<hbm>>
    tpu.enqueue_dma source(%dma_start3A_3 : memref<32768xf32, #tpu.memory_space<hbm>>) target(%arg4 : memref<32768xf32, #tpu.memory_space<vmem>>) target_semaphore(%arg7 : memref<!tpu.dma_semaphore, #tpu.memory_space<semaphore_mem>>)
    %broadcast_in_dim3A = arith.constant 0.000000e+00 : f32
    %broadcast_in_dim3A_4 = vector.broadcast %broadcast_in_dim3A : f32 to vector<16xf32>
    %broadcast_in_dim3A_5 = arith.constant 0.000000e+00 : f32
    %broadcast_in_dim3A_6 = vector.broadcast %broadcast_in_dim3A_5 : f32 to vector<16xf32>
    %broadcast_in_dim3A_7 = arith.constant 0.000000e+00 : f32
    %broadcast_in_dim3A_8 = vector.broadcast %broadcast_in_dim3A_7 : f32 to vector<16xf32>
    %broadcast_in_dim3A_9 = arith.constant 0.000000e+00 : f32
    %broadcast_in_dim3A_10 = vector.broadcast %broadcast_in_dim3A_9 : f32 to vector<16xf32>
    %broadcast_in_dim3A_11 = arith.constant 0.000000e+00 : f32
    %broadcast_in_dim3A_12 = vector.broadcast %broadcast_in_dim3A_11 : f32 to vector<16xf32>
    %broadcast_in_dim3A_13 = arith.constant 0.000000e+00 : f32
    %broadcast_in_dim3A_14 = vector.broadcast %broadcast_in_dim3A_13 : f32 to vector<16xf32>
    %broadcast_in_dim3A_15 = arith.constant 0.000000e+00 : f32
    %broadcast_in_dim3A_16 = vector.broadcast %broadcast_in_dim3A_15 : f32 to vector<16xf32>
    %broadcast_in_dim3A_17 = arith.constant 0.000000e+00 : f32
    %broadcast_in_dim3A_18 = vector.broadcast %broadcast_in_dim3A_17 : f32 to vector<16xf32>
    %add3A_19 = arith.constant 32768 : i32
    %add3A_20 = arith.addi %mul3A_2, %add3A_19 : i32
    %dma_start3A_21 = tpu.memref_slice %arg2[%add3A_20] : memref<8388608xf32, #tpu.memory_space<hbm>> -> memref<32768xf32, #tpu.memory_space<hbm>>
    %dma_start3A_22 = tpu.memref_slice %arg2[%add3A_20] : memref<8388608xf32, #tpu.memory_space<hbm>> -> memref<32768xf32, #tpu.memory_space<hbm>>
    tpu.enqueue_dma source(%dma_start3A_22 : memref<32768xf32, #tpu.memory_space<hbm>>) target(%arg5 : memref<32768xf32, #tpu.memory_space<vmem>>) target_semaphore(%arg8 : memref<!tpu.dma_semaphore, #tpu.memory_space<semaphore_mem>>)
    %dma_wait3A = tpu.memref_slice %arg2[%mul3A_2] : memref<8388608xf32, #tpu.memory_space<hbm>> -> memref<32768xf32, #tpu.memory_space<hbm>>
    %dma_wait3A_23 = tpu.memref_slice %arg2[%mul3A_2] : memref<8388608xf32, #tpu.memory_space<hbm>> -> memref<32768xf32, #tpu.memory_space<hbm>>
    tpu.wait_dma2 semaphore(%arg7 : memref<!tpu.dma_semaphore, #tpu.memory_space<semaphore_mem>>) src(%dma_wait3A_23 : memref<32768xf32, #tpu.memory_space<hbm>>) dst(%arg4 : memref<32768xf32, #tpu.memory_space<vmem>>)
    %scan3A = arith.constant 0 : i32
    %scan3A_24 = arith.constant 256 : i32
    %scan3A_25 = arith.addi %scan3A, %scan3A_24 : i32
    %scan3A_26 = arith.constant 2 : i32
    %scan3A_27:8 = scf.for %scan3A_47 = %scan3A to %scan3A_25 step %scan3A_26 iter_args(%scan3A_48 = %broadcast_in_dim3A_4, %scan3A_49 = %broadcast_in_dim3A_6, %scan3A_50 = %broadcast_in_dim3A_8, %scan3A_51 = %broadcast_in_dim3A_10, %scan3A_52 = %broadcast_in_dim3A_12, %scan3A_53 = %broadcast_in_dim3A_14, %scan3A_54 = %broadcast_in_dim3A_16, %scan3A_55 = %broadcast_in_dim3A_18) -> (vector<16xf32>, vector<16xf32>, vector<16xf32>, vector<16xf32>, vector<16xf32>, vector<16xf32>, vector<16xf32>, vector<16xf32>)  : i32 {
      %mul3A_56 = arith.constant 128 : i32
      %mul3A_57 = arith.muli %scan3A_47, %mul3A_56 : i32
      %add3A_58 = arith.constant 0 : i32
      %add3A_59 = arith.addi %mul3A_57, %add3A_58 : i32
      %get3A = arith.index_cast %add3A_59 : i32 to index
      %get3A_60 = tpu.vector_load %arg4[%get3A] {strides = array<i32>} : memref<32768xf32, #tpu.memory_space<vmem>>, vector<16xf32>,
      %get3A_61 = vector.shape_cast %get3A_60 : vector<16xf32> to vector<16xf32>
      %add3A_62 = arith.addf %scan3A_48, %get3A_61 : vector<16xf32>
      %add3A_63 = arith.constant 16 : i32
      %add3A_64 = arith.addi %mul3A_57, %add3A_63 : i32
      %get3A_65 = arith.index_cast %add3A_64 : i32 to index
      %get3A_66 = tpu.vector_load %arg4[%get3A_65] {strides = array<i32>} : memref<32768xf32, #tpu.memory_space<vmem>>, vector<16xf32>,
      %get3A_67 = vector.shape_cast %get3A_66 : vector<16xf32> to vector<16xf32>
      %add3A_68 = arith.addf %scan3A_49, %get3A_67 : vector<16xf32>
      %add3A_69 = arith.constant 32 : i32
      %add3A_70 = arith.addi %mul3A_57, %add3A_69 : i32
      %get3A_71 = arith.index_cast %add3A_70 : i32 to index
      %get3A_72 = tpu.vector_load %arg4[%get3A_71] {strides = array<i32>} : memref<32768xf32, #tpu.memory_space<vmem>>, vector<16xf32>,
      %get3A_73 = vector.shape_cast %get3A_72 : vector<16xf32> to vector<16xf32>
      %add3A_74 = arith.addf %scan3A_50, %get3A_73 : vector<16xf32>
      %add3A_75 = arith.constant 48 : i32
      %add3A_76 = arith.addi %mul3A_57, %add3A_75 : i32
      %get3A_77 = arith.index_cast %add3A_76 : i32 to index
      %get3A_78 = tpu.vector_load %arg4[%get3A_77] {strides = array<i32>} : memref<32768xf32, #tpu.memory_space<vmem>>, vector<16xf32>,
      %get3A_79 = vector.shape_cast %get3A_78 : vector<16xf32> to vector<16xf32>
      %add3A_80 = arith.addf %scan3A_51, %get3A_79 : vector<16xf32>
      %add3A_81 = arith.constant 64 : i32
      %add3A_82 = arith.addi %mul3A_57, %add3A_81 : i32
      %get3A_83 = arith.index_cast %add3A_82 : i32 to index
      %get3A_84 = tpu.vector_load %arg4[%get3A_83] {strides = array<i32>} : memref<32768xf32, #tpu.memory_space<vmem>>, vector<16xf32>,
      %get3A_85 = vector.shape_cast %get3A_84 : vector<16xf32> to vector<16xf32>
      %add3A_86 = arith.addf %scan3A_52, %get3A_85 : vector<16xf32>
      %add3A_87 = arith.constant 80 : i32
      %add3A_88 = arith.addi %mul3A_57, %add3A_87 : i32
      %get3A_89 = arith.index_cast %add3A_88 : i32 to index
      %get3A_90 = tpu.vector_load %arg4[%get3A_89] {strides = array<i32>} : memref<32768xf32, #tpu.memory_space<vmem>>, vector<16xf32>,
      %get3A_91 = vector.shape_cast %get3A_90 : vector<16xf32> to vector<16xf32>
      %add3A_92 = arith.addf %scan3A_53, %get3A_91 : vector<16xf32>
      %add3A_93 = arith.constant 96 : i32
      %add3A_94 = arith.addi %mul3A_57, %add3A_93 : i32
      %get3A_95 = arith.index_cast %add3A_94 : i32 to index
      %get3A_96 = tpu.vector_load %arg4[%get3A_95] {strides = array<i32>} : memref<32768xf32, #tpu.memory_space<vmem>>, vector<16xf32>,
      %get3A_97 = vector.shape_cast %get3A_96 : vector<16xf32> to vector<16xf32>
      %add3A_98 = arith.addf %scan3A_54, %get3A_97 : vector<16xf32>
      %add3A_99 = arith.constant 112 : i32
      %add3A_100 = arith.addi %mul3A_57, %add3A_99 : i32
      %get3A_101 = arith.index_cast %add3A_100 : i32 to index
      %get3A_102 = tpu.vector_load %arg4[%get3A_101] {strides = array<i32>} : memref<32768xf32, #tpu.memory_space<vmem>>, vector<16xf32>,
      %get3A_103 = vector.shape_cast %get3A_102 : vector<16xf32> to vector<16xf32>
      %add3A_104 = arith.addf %scan3A_55, %get3A_103 : vector<16xf32>
      %scan3A_105 = arith.constant 1 : i32
      %scan3A_106 = arith.addi %scan3A_47, %scan3A_105 : i32
      %mul3A_107 = arith.constant 128 : i32
      %mul3A_108 = arith.muli %scan3A_106, %mul3A_107 : i32
      %add3A_109 = arith.constant 0 : i32
      %add3A_110 = arith.addi %mul3A_108, %add3A_109 : i32
      %get3A_111 = arith.index_cast %add3A_110 : i32 to index
      %get3A_112 = tpu.vector_load %arg4[%get3A_111] {strides = array<i32>} : memref<32768xf32, #tpu.memory_space<vmem>>, vector<16xf32>,
      %get3A_113 = vector.shape_cast %get3A_112 : vector<16xf32> to vector<16xf32>
      %add3A_114 = arith.addf %add3A_62, %get3A_113 : vector<16xf32>
      %add3A_115 = arith.constant 16 : i32
      %add3A_116 = arith.addi %mul3A_108, %add3A_115 : i32
      %get3A_117 = arith.index_cast %add3A_116 : i32 to index
      %get3A_118 = tpu.vector_load %arg4[%get3A_117] {strides = array<i32>} : memref<32768xf32, #tpu.memory_space<vmem>>, vector<16xf32>,
      %get3A_119 = vector.shape_cast %get3A_118 : vector<16xf32> to vector<16xf32>
      %add3A_120 = arith.addf %add3A_68, %get3A_119 : vector<16xf32>
      %add3A_121 = arith.constant 32 : i32
      %add3A_122 = arith.addi %mul3A_108, %add3A_121 : i32
      %get3A_123 = arith.index_cast %add3A_122 : i32 to index
      %get3A_124 = tpu.vector_load %arg4[%get3A_123] {strides = array<i32>} : memref<32768xf32, #tpu.memory_space<vmem>>, vector<16xf32>,
      %get3A_125 = vector.shape_cast %get3A_124 : vector<16xf32> to vector<16xf32>
      %add3A_126 = arith.addf %add3A_74, %get3A_125 : vector<16xf32>
      %add3A_127 = arith.constant 48 : i32
      %add3A_128 = arith.addi %mul3A_108, %add3A_127 : i32
      %get3A_129 = arith.index_cast %add3A_128 : i32 to index
      %get3A_130 = tpu.vector_load %arg4[%get3A_129] {strides = array<i32>} : memref<32768xf32, #tpu.memory_space<vmem>>, vector<16xf32>,
      %get3A_131 = vector.shape_cast %get3A_130 : vector<16xf32> to vector<16xf32>
      %add3A_132 = arith.addf %add3A_80, %get3A_131 : vector<16xf32>
      %add3A_133 = arith.constant 64 : i32
      %add3A_134 = arith.addi %mul3A_108, %add3A_133 : i32
      %get3A_135 = arith.index_cast %add3A_134 : i32 to index
      %get3A_136 = tpu.vector_load %arg4[%get3A_135] {strides = array<i32>} : memref<32768xf32, #tpu.memory_space<vmem>>, vector<16xf32>,
      %get3A_137 = vector.shape_cast %get3A_136 : vector<16xf32> to vector<16xf32>
      %add3A_138 = arith.addf %add3A_86, %get3A_137 : vector<16xf32>
      %add3A_139 = arith.constant 80 : i32
      %add3A_140 = arith.addi %mul3A_108, %add3A_139 : i32
      %get3A_141 = arith.index_cast %add3A_140 : i32 to index
      %get3A_142 = tpu.vector_load %arg4[%get3A_141] {strides = array<i32>} : memref<32768xf32, #tpu.memory_space<vmem>>, vector<16xf32>,
      %get3A_143 = vector.shape_cast %get3A_142 : vector<16xf32> to vector<16xf32>
      %add3A_144 = arith.addf %add3A_92, %get3A_143 : vector<16xf32>
      %add3A_145 = arith.constant 96 : i32
      %add3A_146 = arith.addi %mul3A_108, %add3A_145 : i32
      %get3A_147 = arith.index_cast %add3A_146 : i32 to index
      %get3A_148 = tpu.vector_load %arg4[%get3A_147] {strides = array<i32>} : memref<32768xf32, #tpu.memory_space<vmem>>, vector<16xf32>,
      %get3A_149 = vector.shape_cast %get3A_148 : vector<16xf32> to vector<16xf32>
      %add3A_150 = arith.addf %add3A_98, %get3A_149 : vector<16xf32>
      %add3A_151 = arith.constant 112 : i32
      %add3A_152 = arith.addi %mul3A_108, %add3A_151 : i32
      %get3A_153 = arith.index_cast %add3A_152 : i32 to index
      %get3A_154 = tpu.vector_load %arg4[%get3A_153] {strides = array<i32>} : memref<32768xf32, #tpu.memory_space<vmem>>, vector<16xf32>,
      %get3A_155 = vector.shape_cast %get3A_154 : vector<16xf32> to vector<16xf32>
      %add3A_156 = arith.addf %add3A_104, %get3A_155 : vector<16xf32>
      scf.yield %add3A_114, %add3A_120, %add3A_126, %add3A_132, %add3A_138, %add3A_144, %add3A_150, %add3A_156 : vector<16xf32>, vector<16xf32>, vector<16xf32>, vector<16xf32>, vector<16xf32>, vector<16xf32>, vector<16xf32>, vector<16xf32>
    }
    %scan3A_28 = arith.constant 256 : i32
    %dma_wait3A_29 = tpu.memref_slice %arg2[%add3A_20] : memref<8388608xf32, #tpu.memory_space<hbm>> -> memref<32768xf32, #tpu.memory_space<hbm>>
    %dma_wait3A_30 = tpu.memref_slice %arg2[%add3A_20] : memref<8388608xf32, #tpu.memory_space<hbm>> -> memref<32768xf32, #tpu.memory_space<hbm>>
    tpu.wait_dma2 semaphore(%arg8 : memref<!tpu.dma_semaphore, #tpu.memory_space<semaphore_mem>>) src(%dma_wait3A_30 : memref<32768xf32, #tpu.memory_space<hbm>>) dst(%arg5 : memref<32768xf32, #tpu.memory_space<vmem>>)
    %scan3A_31 = arith.constant 0 : i32
    %scan3A_32 = arith.constant 256 : i32
    %scan3A_33 = arith.addi %scan3A_31, %scan3A_32 : i32
    %scan3A_34 = arith.constant 2 : i32
    %scan3A_35:8 = scf.for %scan3A_47 = %scan3A_31 to %scan3A_33 step %scan3A_34 iter_args(%scan3A_48 = %scan3A_27#0, %scan3A_49 = %scan3A_27#1, %scan3A_50 = %scan3A_27#2, %scan3A_51 = %scan3A_27#3, %scan3A_52 = %scan3A_27#4, %scan3A_53 = %scan3A_27#5, %scan3A_54 = %scan3A_27#6, %scan3A_55 = %scan3A_27#7) -> (vector<16xf32>, vector<16xf32>, vector<16xf32>, vector<16xf32>, vector<16xf32>, vector<16xf32>, vector<16xf32>, vector<16xf32>)  : i32 {
      %mul3A_56 = arith.constant 128 : i32
      %mul3A_57 = arith.muli %scan3A_47, %mul3A_56 : i32
      %add3A_58 = arith.constant 0 : i32
      %add3A_59 = arith.addi %mul3A_57, %add3A_58 : i32
      %get3A = arith.index_cast %add3A_59 : i32 to index
      %get3A_60 = tpu.vector_load %arg5[%get3A] {strides = array<i32>} : memref<32768xf32, #tpu.memory_space<vmem>>, vector<16xf32>,
      %get3A_61 = vector.shape_cast %get3A_60 : vector<16xf32> to vector<16xf32>
      %add3A_62 = arith.addf %scan3A_48, %get3A_61 : vector<16xf32>
      %add3A_63 = arith.constant 16 : i32
      %add3A_64 = arith.addi %mul3A_57, %add3A_63 : i32
      %get3A_65 = arith.index_cast %add3A_64 : i32 to index
      %get3A_66 = tpu.vector_load %arg5[%get3A_65] {strides = array<i32>} : memref<32768xf32, #tpu.memory_space<vmem>>, vector<16xf32>,
      %get3A_67 = vector.shape_cast %get3A_66 : vector<16xf32> to vector<16xf32>
      %add3A_68 = arith.addf %scan3A_49, %get3A_67 : vector<16xf32>
      %add3A_69 = arith.constant 32 : i32
      %add3A_70 = arith.addi %mul3A_57, %add3A_69 : i32
      %get3A_71 = arith.index_cast %add3A_70 : i32 to index
      %get3A_72 = tpu.vector_load %arg5[%get3A_71] {strides = array<i32>} : memref<32768xf32, #tpu.memory_space<vmem>>, vector<16xf32>,
      %get3A_73 = vector.shape_cast %get3A_72 : vector<16xf32> to vector<16xf32>
      %add3A_74 = arith.addf %scan3A_50, %get3A_73 : vector<16xf32>
      %add3A_75 = arith.constant 48 : i32
      %add3A_76 = arith.addi %mul3A_57, %add3A_75 : i32
      %get3A_77 = arith.index_cast %add3A_76 : i32 to index
      %get3A_78 = tpu.vector_load %arg5[%get3A_77] {strides = array<i32>} : memref<32768xf32, #tpu.memory_space<vmem>>, vector<16xf32>,
      %get3A_79 = vector.shape_cast %get3A_78 : vector<16xf32> to vector<16xf32>
      %add3A_80 = arith.addf %scan3A_51, %get3A_79 : vector<16xf32>
      %add3A_81 = arith.constant 64 : i32
      %add3A_82 = arith.addi %mul3A_57, %add3A_81 : i32
      %get3A_83 = arith.index_cast %add3A_82 : i32 to index
      %get3A_84 = tpu.vector_load %arg5[%get3A_83] {strides = array<i32>} : memref<32768xf32, #tpu.memory_space<vmem>>, vector<16xf32>,
      %get3A_85 = vector.shape_cast %get3A_84 : vector<16xf32> to vector<16xf32>
      %add3A_86 = arith.addf %scan3A_52, %get3A_85 : vector<16xf32>
      %add3A_87 = arith.constant 80 : i32
      %add3A_88 = arith.addi %mul3A_57, %add3A_87 : i32
      %get3A_89 = arith.index_cast %add3A_88 : i32 to index
      %get3A_90 = tpu.vector_load %arg5[%get3A_89] {strides = array<i32>} : memref<32768xf32, #tpu.memory_space<vmem>>, vector<16xf32>,
      %get3A_91 = vector.shape_cast %get3A_90 : vector<16xf32> to vector<16xf32>
      %add3A_92 = arith.addf %scan3A_53, %get3A_91 : vector<16xf32>
      %add3A_93 = arith.constant 96 : i32
      %add3A_94 = arith.addi %mul3A_57, %add3A_93 : i32
      %get3A_95 = arith.index_cast %add3A_94 : i32 to index
      %get3A_96 = tpu.vector_load %arg5[%get3A_95] {strides = array<i32>} : memref<32768xf32, #tpu.memory_space<vmem>>, vector<16xf32>,
      %get3A_97 = vector.shape_cast %get3A_96 : vector<16xf32> to vector<16xf32>
      %add3A_98 = arith.addf %scan3A_54, %get3A_97 : vector<16xf32>
      %add3A_99 = arith.constant 112 : i32
      %add3A_100 = arith.addi %mul3A_57, %add3A_99 : i32
      %get3A_101 = arith.index_cast %add3A_100 : i32 to index
      %get3A_102 = tpu.vector_load %arg5[%get3A_101] {strides = array<i32>} : memref<32768xf32, #tpu.memory_space<vmem>>, vector<16xf32>,
      %get3A_103 = vector.shape_cast %get3A_102 : vector<16xf32> to vector<16xf32>
      %add3A_104 = arith.addf %scan3A_55, %get3A_103 : vector<16xf32>
      %scan3A_105 = arith.constant 1 : i32
      %scan3A_106 = arith.addi %scan3A_47, %scan3A_105 : i32
      %mul3A_107 = arith.constant 128 : i32
      %mul3A_108 = arith.muli %scan3A_106, %mul3A_107 : i32
      %add3A_109 = arith.constant 0 : i32
      %add3A_110 = arith.addi %mul3A_108, %add3A_109 : i32
      %get3A_111 = arith.index_cast %add3A_110 : i32 to index
      %get3A_112 = tpu.vector_load %arg5[%get3A_111] {strides = array<i32>} : memref<32768xf32, #tpu.memory_space<vmem>>, vector<16xf32>,
      %get3A_113 = vector.shape_cast %get3A_112 : vector<16xf32> to vector<16xf32>
      %add3A_114 = arith.addf %add3A_62, %get3A_113 : vector<16xf32>
      %add3A_115 = arith.constant 16 : i32
      %add3A_116 = arith.addi %mul3A_108, %add3A_115 : i32
      %get3A_117 = arith.index_cast %add3A_116 : i32 to index
      %get3A_118 = tpu.vector_load %arg5[%get3A_117] {strides = array<i32>} : memref<32768xf32, #tpu.memory_space<vmem>>, vector<16xf32>,
      %get3A_119 = vector.shape_cast %get3A_118 : vector<16xf32> to vector<16xf32>
      %add3A_120 = arith.addf %add3A_68, %get3A_119 : vector<16xf32>
      %add3A_121 = arith.constant 32 : i32
      %add3A_122 = arith.addi %mul3A_108, %add3A_121 : i32
      %get3A_123 = arith.index_cast %add3A_122 : i32 to index
      %get3A_124 = tpu.vector_load %arg5[%get3A_123] {strides = array<i32>} : memref<32768xf32, #tpu.memory_space<vmem>>, vector<16xf32>,
      %get3A_125 = vector.shape_cast %get3A_124 : vector<16xf32> to vector<16xf32>
      %add3A_126 = arith.addf %add3A_74, %get3A_125 : vector<16xf32>
      %add3A_127 = arith.constant 48 : i32
      %add3A_128 = arith.addi %mul3A_108, %add3A_127 : i32
      %get3A_129 = arith.index_cast %add3A_128 : i32 to index
      %get3A_130 = tpu.vector_load %arg5[%get3A_129] {strides = array<i32>} : memref<32768xf32, #tpu.memory_space<vmem>>, vector<16xf32>,
      %get3A_131 = vector.shape_cast %get3A_130 : vector<16xf32> to vector<16xf32>
      %add3A_132 = arith.addf %add3A_80, %get3A_131 : vector<16xf32>
      %add3A_133 = arith.constant 64 : i32
      %add3A_134 = arith.addi %mul3A_108, %add3A_133 : i32
      %get3A_135 = arith.index_cast %add3A_134 : i32 to index
      %get3A_136 = tpu.vector_load %arg5[%get3A_135] {strides = array<i32>} : memref<32768xf32, #tpu.memory_space<vmem>>, vector<16xf32>,
      %get3A_137 = vector.shape_cast %get3A_136 : vector<16xf32> to vector<16xf32>
      %add3A_138 = arith.addf %add3A_86, %get3A_137 : vector<16xf32>
      %add3A_139 = arith.constant 80 : i32
      %add3A_140 = arith.addi %mul3A_108, %add3A_139 : i32
      %get3A_141 = arith.index_cast %add3A_140 : i32 to index
      %get3A_142 = tpu.vector_load %arg5[%get3A_141] {strides = array<i32>} : memref<32768xf32, #tpu.memory_space<vmem>>, vector<16xf32>,
      %get3A_143 = vector.shape_cast %get3A_142 : vector<16xf32> to vector<16xf32>
      %add3A_144 = arith.addf %add3A_92, %get3A_143 : vector<16xf32>
      %add3A_145 = arith.constant 96 : i32
      %add3A_146 = arith.addi %mul3A_108, %add3A_145 : i32
      %get3A_147 = arith.index_cast %add3A_146 : i32 to index
      %get3A_148 = tpu.vector_load %arg5[%get3A_147] {strides = array<i32>} : memref<32768xf32, #tpu.memory_space<vmem>>, vector<16xf32>,
      %get3A_149 = vector.shape_cast %get3A_148 : vector<16xf32> to vector<16xf32>
      %add3A_150 = arith.addf %add3A_98, %get3A_149 : vector<16xf32>
      %add3A_151 = arith.constant 112 : i32
      %add3A_152 = arith.addi %mul3A_108, %add3A_151 : i32
      %get3A_153 = arith.index_cast %add3A_152 : i32 to index
      %get3A_154 = tpu.vector_load %arg5[%get3A_153] {strides = array<i32>} : memref<32768xf32, #tpu.memory_space<vmem>>, vector<16xf32>,
      %get3A_155 = vector.shape_cast %get3A_154 : vector<16xf32> to vector<16xf32>
      %add3A_156 = arith.addf %add3A_104, %get3A_155 : vector<16xf32>
      scf.yield %add3A_114, %add3A_120, %add3A_126, %add3A_132, %add3A_138, %add3A_144, %add3A_150, %add3A_156 : vector<16xf32>, vector<16xf32>, vector<16xf32>, vector<16xf32>, vector<16xf32>, vector<16xf32>, vector<16xf32>, vector<16xf32>
    }
    %scan3A_36 = arith.constant 256 : i32
    %add3A_37 = arith.addf %scan3A_35#0, %scan3A_35#1 : vector<16xf32>
    %add3A_38 = arith.addf %add3A_37, %scan3A_35#2 : vector<16xf32>
    %add3A_39 = arith.addf %add3A_38, %scan3A_35#3 : vector<16xf32>
    %add3A_40 = arith.addf %add3A_39, %scan3A_35#4 : vector<16xf32>
    %add3A_41 = arith.addf %add3A_40, %scan3A_35#5 : vector<16xf32>
    %add3A_42 = arith.addf %add3A_41, %scan3A_35#6 : vector<16xf32>
    %add3A_43 = arith.addf %add3A_42, %scan3A_35#7 : vector<16xf32>
    %swap3A = arith.constant 0 : index
    %swap3A_44 = tpu.vector_load %arg6[%swap3A] {strides = array<i32>} : memref<16xf32, #tpu.memory_space<vmem>>, vector<16xf32>,
    %swap3A_45 = vector.shape_cast %swap3A_44 : vector<16xf32> to vector<16xf32>
    %swap3A_46 = vector.shape_cast %add3A_43 : vector<16xf32> to vector<16xf32>
    tpu.vector_store %arg6[%swap3A], %swap3A_46 {strides = array<i32>} : memref<16xf32, #tpu.memory_space<vmem>>, vector<16xf32>,
    "tpu.region"() ({
      %run_scoped3A = tpu.sem_alloc : memref<!tpu.dma_semaphore, #tpu.memory_space<semaphore_mem>>
      %dma_start3A_47 = arith.constant 0 : i32
      %dma_start3A_48 = tpu.memref_slice %arg3[%add3A, %dma_start3A_47] : memref<32x16xf32, #tpu.memory_space<hbm>> -> memref<1x16xf32, #tpu.memory_space<hbm>>
      %dma_start3A_49 = tpu.memref_squeeze %dma_start3A_48 : memref<1x16xf32, #tpu.memory_space<hbm>> -> memref<16xf32, #tpu.memory_space<hbm>>
      %dma_start3A_50 = arith.constant 0 : i32
      %dma_start3A_51 = tpu.memref_slice %arg3[%add3A, %dma_start3A_50] : memref<32x16xf32, #tpu.memory_space<hbm>> -> memref<1x16xf32, #tpu.memory_space<hbm>>
      %dma_start3A_52 = tpu.memref_squeeze %dma_start3A_51 : memref<1x16xf32, #tpu.memory_space<hbm>> -> memref<16xf32, #tpu.memory_space<hbm>>
      tpu.enqueue_dma source(%arg6 : memref<16xf32, #tpu.memory_space<vmem>>) target(%dma_start3A_52 : memref<16xf32, #tpu.memory_space<hbm>>) target_semaphore(%run_scoped3A : memref<!tpu.dma_semaphore, #tpu.memory_space<semaphore_mem>>)
      %dma_wait3A_53 = arith.constant 0 : i32
      %dma_wait3A_54 = tpu.memref_slice %arg3[%add3A, %dma_wait3A_53] : memref<32x16xf32, #tpu.memory_space<hbm>> -> memref<1x16xf32, #tpu.memory_space<hbm>>
      %dma_wait3A_55 = tpu.memref_squeeze %dma_wait3A_54 : memref<1x16xf32, #tpu.memory_space<hbm>> -> memref<16xf32, #tpu.memory_space<hbm>>
      %dma_wait3A_56 = arith.constant 0 : i32
      %dma_wait3A_57 = tpu.memref_slice %arg3[%add3A, %dma_wait3A_56] : memref<32x16xf32, #tpu.memory_space<hbm>> -> memref<1x16xf32, #tpu.memory_space<hbm>>
      %dma_wait3A_58 = tpu.memref_squeeze %dma_wait3A_57 : memref<1x16xf32, #tpu.memory_space<hbm>> -> memref<16xf32, #tpu.memory_space<hbm>>
      tpu.wait_dma2 semaphore(%run_scoped3A : memref<!tpu.dma_semaphore, #tpu.memory_space<semaphore_mem>>) src(%arg6 : memref<16xf32, #tpu.memory_space<vmem>>) dst(%dma_wait3A_58 : memref<16xf32, #tpu.memory_space<hbm>>)
      tpu.yield
    }) : () -> ()
    return
  }
}

module attributes {stable_mosaic.version = 14 : i64} {
  func.func @_fused_body(%arg0: i32, %arg1: memref<8192x128xf32, #tpu.memory_space<vmem>>, %arg2: memref<8192x128xf32, #tpu.memory_space<vmem>>, %arg3: memref<8x128xf32, #tpu.memory_space<vmem>>, %arg4: memref<8x128xf32, #tpu.memory_space<vmem>>) attributes {dimension_semantics = [#tpu.dimension_semantics<arbitrary>], iteration_bounds = array<i64: 8>, scalar_prefetch = 0 : i64, scratch_operands = 0 : i64, tpu.core_type = #tpu.core_type<tc>, window_params = [{transform_indices = @transform_0, window_bounds = array<i64: 8192, 128>}, {transform_indices = @transform_1, window_bounds = array<i64: 8192, 128>}, {pipeline_mode = #tpu.pipeline_mode<synchronous>, transform_indices = @transform_2, window_bounds = array<i64: 8, 128>}, {pipeline_mode = #tpu.pipeline_mode<synchronous>, transform_indices = @transform_3, window_bounds = array<i64: 8, 128>}]} {
    %get3A = arith.constant 0 : index
    %get3A_0 = arith.constant 0 : index
    %get3A_1 = vector.load %arg1[%get3A, %get3A_0] : memref<8192x128xf32, #tpu.memory_space<vmem>>, vector<8192x128xf32>
    %get3A_2 = arith.constant 0 : index
    %get3A_3 = arith.constant 0 : index
    %get3A_4 = vector.load %arg2[%get3A_2, %get3A_3] : memref<8192x128xf32, #tpu.memory_space<vmem>>, vector<8192x128xf32>
    %mul3A = arith.constant -1.44269502 : f32
    %mul3A_5 = vector.broadcast %mul3A : f32 to vector<8192x128xf32>
    %mul3A_6 = arith.mulf %get3A_1, %mul3A_5 : vector<8192x128xf32>
    %min3A = arith.constant 1.260000e+02 : f32
    %min3A_7 = vector.broadcast %min3A : f32 to vector<8192x128xf32>
    %min3A_8 = arith.minimumf %mul3A_6, %min3A_7 : vector<8192x128xf32>
    %exp23A = math.exp2 %min3A_8 : vector<8192x128xf32>
    %add3A = arith.constant 1.000000e+00 : f32
    %add3A_9 = vector.broadcast %add3A : f32 to vector<8192x128xf32>
    %add3A_10 = arith.addf %add3A_9, %exp23A : vector<8192x128xf32>
    %log3A = math.log %add3A_10 : vector<8192x128xf32>
    %log3A_11 = arith.constant 2.000000e+00 : f32
    %log3A_12 = math.log %log3A_11 : f32
    %div3A = vector.broadcast %log3A_12 : f32 to vector<8192x128xf32>
    %div3A_13 = arith.divf %log3A, %div3A : vector<8192x128xf32>
    %mul3A_14 = arith.constant 0.693147182 : f32
    %mul3A_15 = vector.broadcast %mul3A_14 : f32 to vector<8192x128xf32>
    %mul3A_16 = arith.mulf %mul3A_15, %div3A_13 : vector<8192x128xf32>
    %add3A_17 = arith.constant 1.000000e+00 : f32
    %add3A_18 = vector.broadcast %add3A_17 : f32 to vector<8192x128xf32>
    %add3A_19 = arith.addf %add3A_18, %mul3A_16 : vector<8192x128xf32>
    %log3A_20 = math.log %add3A_19 : vector<8192x128xf32>
    %log3A_21 = arith.constant 2.000000e+00 : f32
    %log3A_22 = math.log %log3A_21 : f32
    %div3A_23 = vector.broadcast %log3A_22 : f32 to vector<8192x128xf32>
    %div3A_24 = arith.divf %log3A_20, %div3A_23 : vector<8192x128xf32>
    %ge3A = arith.constant 5.000000e-01 : f32
    %ge3A_25 = vector.broadcast %ge3A : f32 to vector<8192x128xf32>
    %ge3A_26 = arith.cmpf oge, %get3A_4, %ge3A_25 : vector<8192x128xf32>
    %jit3A = arith.constant -144.269501 : f32
    %broadcast_in_dim3A = vector.broadcast %jit3A : f32 to vector<8192x128xf32>
    %select_n3A = arith.select %ge3A_26, %broadcast_in_dim3A, %div3A_24 : vector<8192x128xi1>, vector<8192x128xf32>
    %reshape3A = vector.shape_cast %select_n3A : vector<8192x128xf32> to vector<1024x8x128xf32>
    %reduce_sum3A = arith.constant dense<0.000000e+00> : vector<8x128xf32>
    %reduce_sum3A_27 = vector.multi_reduction <add>, %reshape3A, %reduce_sum3A [0] : vector<1024x8x128xf32> to vector<8x128xf32>
    %ge3A_28 = arith.constant 2 : i32
    %ge3A_29 = arith.cmpi sge, %arg0, %ge3A_28 : i32
    %jit3A_30 = arith.constant 1.000000e+00 : f32
    %jit3A_31 = arith.constant 0.000000e+00 : f32
    %select_n3A_32 = arith.select %ge3A_29, %jit3A_30, %jit3A_31 : f32
    %reshape3A_33 = vector.shape_cast %get3A_4 : vector<8192x128xf32> to vector<1024x8x128xf32>
    %reduce_sum3A_34 = arith.constant dense<0.000000e+00> : vector<8x128xf32>
    %reduce_sum3A_35 = vector.multi_reduction <add>, %reshape3A_33, %reduce_sum3A_34 [0] : vector<1024x8x128xf32> to vector<8x128xf32>
    %mul3A_36 = vector.broadcast %select_n3A_32 : f32 to vector<8x128xf32>
    %mul3A_37 = arith.mulf %mul3A_36, %reduce_sum3A_35 : vector<8x128xf32>
    %eq3A = arith.constant 0 : i32
    %eq3A_38 = arith.cmpi eq, %arg0, %eq3A : i32
    %convert_element_type3A = arith.extui %eq3A_38 : i1 to i32
    %cond3A = arith.constant 0 : i32
    %cond3A_39 = arith.cmpi ne, %convert_element_type3A, %cond3A : i32
    scf.if %cond3A_39 {
      %broadcast_in_dim3A_53 = arith.constant 0.000000e+00 : f32
      %broadcast_in_dim3A_54 = vector.broadcast %broadcast_in_dim3A_53 : f32 to vector<8x128xf32>
      %swap3A_55 = arith.constant 0 : index
      %swap3A_56 = arith.constant 0 : index
      %swap3A_57 = vector.load %arg3[%swap3A_55, %swap3A_56] : memref<8x128xf32, #tpu.memory_space<vmem>>, vector<8x128xf32>
      tpu.vector_store %arg3[%swap3A_55, %swap3A_56], %broadcast_in_dim3A_54 {strides = array<i32>} : memref<8x128xf32, #tpu.memory_space<vmem>>, vector<8x128xf32>,
      %broadcast_in_dim3A_58 = arith.constant 0.000000e+00 : f32
      %broadcast_in_dim3A_59 = vector.broadcast %broadcast_in_dim3A_58 : f32 to vector<8x128xf32>
      %swap3A_60 = arith.constant 0 : index
      %swap3A_61 = arith.constant 0 : index
      %swap3A_62 = vector.load %arg4[%swap3A_60, %swap3A_61] : memref<8x128xf32, #tpu.memory_space<vmem>>, vector<8x128xf32>
      tpu.vector_store %arg4[%swap3A_60, %swap3A_61], %broadcast_in_dim3A_59 {strides = array<i32>} : memref<8x128xf32, #tpu.memory_space<vmem>>, vector<8x128xf32>,
    } else {
    }
    %get3A_40 = arith.constant 0 : index
    %get3A_41 = arith.constant 0 : index
    %get3A_42 = vector.load %arg3[%get3A_40, %get3A_41] : memref<8x128xf32, #tpu.memory_space<vmem>>, vector<8x128xf32>
    %add3A_43 = arith.addf %get3A_42, %reduce_sum3A_27 : vector<8x128xf32>
    %swap3A = arith.constant 0 : index
    %swap3A_44 = arith.constant 0 : index
    %swap3A_45 = vector.load %arg3[%swap3A, %swap3A_44] : memref<8x128xf32, #tpu.memory_space<vmem>>, vector<8x128xf32>
    tpu.vector_store %arg3[%swap3A, %swap3A_44], %add3A_43 {strides = array<i32>} : memref<8x128xf32, #tpu.memory_space<vmem>>, vector<8x128xf32>,
    %get3A_46 = arith.constant 0 : index
    %get3A_47 = arith.constant 0 : index
    %get3A_48 = vector.load %arg4[%get3A_46, %get3A_47] : memref<8x128xf32, #tpu.memory_space<vmem>>, vector<8x128xf32>
    %add3A_49 = arith.addf %get3A_48, %mul3A_37 : vector<8x128xf32>
    %swap3A_50 = arith.constant 0 : index
    %swap3A_51 = arith.constant 0 : index
    %swap3A_52 = vector.load %arg4[%swap3A_50, %swap3A_51] : memref<8x128xf32, #tpu.memory_space<vmem>>, vector<8x128xf32>
    tpu.vector_store %arg4[%swap3A_50, %swap3A_51], %add3A_49 {strides = array<i32>} : memref<8x128xf32, #tpu.memory_space<vmem>>, vector<8x128xf32>,
    return
  }
  func.func @transform_0(%arg0: i32) -> (i32, i32) {
    %c0_i32 = arith.constant 0 : i32
    %c0_i32_0 = arith.constant 0 : i32
    return %arg0, %c0_i32 : i32, i32
  }
  func.func @transform_1(%arg0: i32) -> (i32, i32) {
    %c0_i32 = arith.constant 0 : i32
    %c0_i32_0 = arith.constant 0 : i32
    return %arg0, %c0_i32 : i32, i32
  }
  func.func @transform_2(%arg0: i32) -> (i32, i32) {
    %c0_i32 = arith.constant 0 : i32
    %c0_i32_0 = arith.constant 0 : i32
    %c0_i32_1 = arith.constant 0 : i32
    return %c0_i32, %c0_i32_0 : i32, i32
  }
  func.func @transform_3(%arg0: i32) -> (i32, i32) {
    %c0_i32 = arith.constant 0 : i32
    %c0_i32_0 = arith.constant 0 : i32
    %c0_i32_1 = arith.constant 0 : i32
    return %c0_i32, %c0_i32_0 : i32, i32
  }
}

</mosaic_0001>

<sc_bundles>
// kernel: kernel.4.cloned.1.call-start
scs
__scs_entry_jumppad:
0x0: {  	(pc) =	sbr.rel $0x88, $3  }
0x1: {  	(tag) =	ssettag $0x0;
	lr =	simm.s32 $0x1  }
0x2: {  	[smem:$0x3F9F] =	sst lr;
	_ =	strace $0xD0000000  }
0x3: {  	_ = 	snop  }
0x4: {  	_ = 	snop  }
0x5: {  	_ = 	snop  }
0x6: {  	_ = 	snop  }
0x7: {  	_ = 	snop  }
__scs_overlays_trampoline_lowered:
0x8: {  	[smem:$0x3FAE] =	sst s0  }
0x9: {  	[smem:$0x3FAF] =	sst s1  }
0xa: {  	[smem:$0x3FB0] =	sst s2  }
0xb: {  	[smem:$0x3FB1] =	sst s3  }
0xc: {  	[smem:$0x3FB2] =	sst s4  }
0xd: {  	[smem:$0x3FB3] =	sst s5  }
0xe: {  	[smem:$0x3FB4] =	sst s6  }
0xf: {  	[smem:$0x3FB5] =	sst s7  }
0x10: {  	[smem:$0x3FB6] =	sst s8  }
0x11: {  	[smem:$0x3FB7] =	sst s9;
	s0 =	simm.s32 @!p0 $0x0  }
0x12: {  	s1 =	sld [smem:$0x3F9D];
	s0 =	simm.s32 @p0 $0x1  }
0x13: {  	[smem:$0x3FB8] =	sst s0;
	s0 =	simm.s32 @!p1 $0x0  }
0x14: {  	s2 =	sld [smem:$0x3F9C];
	s0 =	simm.s32 @p1 $0x1  }
0x15: {  	[smem:$0x3FB9] =	sst s0;
	s0 =	simm.s32 @!p2 $0x0  }
0x16: {  	s3 =	sld [smem:$0x3FDB];
	s0 =	simm.s32 @p2 $0x1  }
0x17: {  	s4 =	simm.s32 $0x1BF5;
	[smem:$0x3FBB] =	sst s0  }
0x18: {  	s0 =	sld [smem:$0x3F9E];
	_ =	swait.ge [sflag:s4], $0x0  }
0x19: {  	s7 =	sld [smem:$0x3F9F]  }
0x1a: {  	s8 =	sadd.s32 $0xFFFFE003, lr  }
0x1b: {  	s9 =	sadd.s32 $0xFFFFFEF7, lr;
	s5 =	simm.s32 $0xFFFFFFFF;
	p2 =	slt.u32 s8, $0xFFFFF086  }
0x1c: {  	p1 =	slt.u32 s9, $0xF7A;
	s5 =	simm.s32 @!p2 $0x0  }
0x1d: {  	s5 =	simm.s32 @p1 $0x1;
	p0 =	seq.s32 s7, s2  }
0x1e: {  	s7 =	smul.u32 @!p0 $0xF7A, s2;
	p2 =	seq.s32 @!p0 s5, $0x0  }
0x1f: {  	s9 =	smul.u32 $0xF7A, s1;
	s8 =	simm.s32 @!p0 $0x1BF5;
	p2 =	por !p2, p0  }
0x20: {  	[sflag:s8] =	ssyncset.s32 @!p0 $0xFFFFF086;
	s6 =	sadd.s32 @!p0 s3, s7;
	s7 =	simm.s32 @!p0 $0x108  }
0x21: {  	s3 =	sadd.s32 s3, s9;
	s6 =	sadd.s32 @!p0 $0x88, s6;
	s7 =	simm.s32 @p2 $0x1082  }
0x22: {  	[simem:s7], [sflag:s8] =	dma.local @!p0 [hbm:s6], $0xF7A  }
0x23: {  	s9 =	sor.u32 $0xD0000000, s2;
	s6 =	simm.s32 $0x108;
	_ =	swait.ge @!p0 [sflag:s8], $0x0  }
0x24: {  	s3 =	sadd.s32 $0x88, s3;
	s6 =	simm.s32 @!p1 $0x1082;
	[sflag:s4] =	ssyncset.s32 $0xFFFFF086  }
0x25: {  	[simem:s6], [sflag:s4] =	dma.local [hbm:s3], $0xF7A  }
0x26: {  	[smem:$0x3F9F] =	sst s1;
	(tag) =	ssettag s2;
	_ =	strace s9  }
0x27: {  	s1 =	sld [smem:$0x3FAF]  }
0x28: {  	s2 =	sld [smem:$0x3FB0]  }
0x29: {  	s4 =	sld [smem:$0x3FB2]  }
0x2a: {  	p0 =	seq.s32 s5, $0x0;
	s5 =	sld [smem:$0x3FB3]  }
0x2b: {  	s6 =	sld [smem:$0x3FB4]  }
0x2c: {  	s7 =	sld [smem:$0x3FB5]  }
0x2d: {  	s3 =	simm.s32 $0x108;
	s8 =	sld [smem:$0x3FB6]  }
0x2e: {  	s3 =	simm.s32 @!p0 $0x1082;
	s9 =	sld [smem:$0x3FB7]  }
0x2f: {  	lr =	sadd.s32 s0, s3;
	s0 =	sld [smem:$0x3FAE]  }
0x30: {  	s3 =	sld [smem:$0x3FB1]  }
0x31: {  	[smem:$0x3FBA] =	sst s10  }
0x32: {  	s10 =	sld [smem:$0x3FB8];
	_ =	sdelay $0x3  }
0x33: {  	p0 =	seq.s32 s10, $0x1;
	s10 =	sld [smem:$0x3FBA];
	_ =	sdelay $0x3  }
0x34: {  	[smem:$0x3FBA] =	sst s10  }
0x35: {  	s10 =	sld [smem:$0x3FB9];
	_ =	sdelay $0x3  }
0x36: {  	p1 =	seq.s32 s10, $0x1;
	s10 =	sld [smem:$0x3FBA];
	_ =	sdelay $0x3  }
0x37: {  	[smem:$0x3FBA] =	sst s10  }
0x38: {  	s10 =	sld [smem:$0x3FBB]  }
0x39: {  	_ = 	snop;
	(pc) =	sbr.ind lr, $3  }
0x3a: {  	_ = 	snop  }
0x3b: {  	_ = 	snop  }
0x3c: {  	p2 =	seq.s32 s10, $0x1;
	s10 =	sld [smem:$0x3FBA]  }
0x3d: {  	_ =	shalt  }
0x3e: {  	_ =	shalt  }
0x3f: {  	_ =	shalt  }
0x40: {  	_ =	shalt  }
0x41: {  	_ =	shalt  }
0x42: {  	_ =	shalt  }
0x43: {  	_ =	shalt  }
0x44: {  	_ =	shalt  }
0x45: {  	_ =	shalt  }
0x46: {  	_ =	shalt  }
0x47: {  	_ =	shalt  }
0x48: {  	_ =	shalt  }
0x49: {  	_ =	shalt  }
0x4a: {  	_ =	shalt  }
0x4b: {  	_ =	shalt  }
0x4c: {  	_ =	shalt  }
0x4d: {  	_ =	shalt  }
0x4e: {  	_ =	shalt  }
0x4f: {  	_ =	shalt  }
0x50: {  	_ =	shalt  }
0x51: {  	_ =	shalt  }
0x52: {  	_ =	shalt  }
0x53: {  	_ =	shalt  }
0x54: {  	_ =	shalt  }
0x55: {  	_ =	shalt  }
0x56: {  	_ =	shalt  }
0x57: {  	_ =	shalt  }
0x58: {  	_ =	shalt  }
0x59: {  	_ =	shalt  }
0x5a: {  	_ =	shalt  }
0x5b: {  	_ =	shalt  }
0x5c: {  	_ =	shalt  }
0x5d: {  	_ =	shalt  }
0x5e: {  	_ =	shalt  }
0x5f: {  	_ =	shalt  }
0x60: {  	_ =	shalt  }
0x61: {  	_ =	shalt  }
0x62: {  	_ =	shalt  }
0x63: {  	_ =	shalt  }
0x64: {  	_ =	shalt  }
0x65: {  	_ =	shalt  }
0x66: {  	_ =	shalt  }
0x67: {  	_ =	shalt  }
0x68: {  	_ =	shalt  }
0x69: {  	_ =	shalt  }
0x6a: {  	_ =	shalt  }
0x6b: {  	_ =	shalt  }
0x6c: {  	_ =	shalt  }
0x6d: {  	_ =	shalt  }
0x6e: {  	_ =	shalt  }
0x6f: {  	_ =	shalt  }
0x70: {  	_ =	shalt  }
0x71: {  	_ =	shalt  }
0x72: {  	_ =	shalt  }
0x73: {  	_ =	shalt  }
0x74: {  	_ =	shalt  }
0x75: {  	_ =	shalt  }
0x76: {  	_ =	shalt  }
0x77: {  	_ =	shalt  }
0x78: {  	_ =	shalt  }
0x79: {  	_ =	shalt  }
0x7a: {  	_ =	shalt  }
0x7b: {  	_ =	shalt  }
0x7c: {  	_ =	shalt  }
0x7d: {  	_ =	shalt  }
0x7e: {  	_ =	shalt  }
0x7f: {  	_ =	shalt  }
0x80: {  	_ =	shalt  }
0x81: {  	_ =	shalt  }
0x82: {  	_ =	shalt  }
0x83: {  	_ =	shalt  }
0x84: {  	_ =	shalt  }
0x85: {  	_ =	shalt  }
0x86: {  	_ =	shalt  }
0x87: {  	_ =	shalt  }
.Lfunc_end0:
.L_simem_size_0:
called_computation_lowered:
.L_overlay_start_0:
0x88: {  	s2 =	sld [smem:$0x3FD9]  }
0x89: {  	s3 =	sld [smem:$0x3FFE];
	_ =	sdelay $0x1  }
0x8a: {  	s1 =	srdreg.scid  }
0x8b: {  	s0 =	sand.u32 $0x1, s1  }
0x8c: {  	s17 =	sshll.u32 s0, $0xA;
	s2 =	sadd.s32 s3, s2  }
0x8d: {  	s2 =	sadd.s32 s2, s17  }
0x8e: {  	[smem:$0x3FC6] =	sst s2  }
0x8f: {  	_ = 	snop  }
0x90: {  	s2 =	sld [smem:$0x3FC8];
	(tm) =	ssettm $0x1  }
0x91: {  	s18 =	sld [smem:$0x3FFB];
	_ =	sdelay $0x3  }
0x92: {  	_ =	strace s18  }
0x93: {  	s3 =	sld [smem:$0x3FFC];
	_ =	sdelay $0x3  }
0x94: {  	_ =	strace s3  }
0x95: {  	s3 =	sld [smem:$0x3FFD];
	_ =	sdelay $0x3  }
0x96: {  	_ =	strace s3  }
0x97: {  	_ =	strace $0x8FFFFFFF  }
0x98: {  	s19 =	sld [smem:$0x3FDB];
	_ =	sdelay $0x1  }
0x99: {  	s4 =	simm.s32 $_scs_section_size  }
0x9a: {  	s5 =	simm.s32 $_size__tile_overlayer_lowered;
	s6 =	simm.s32 $_tile_overlayer_lowered  }
0x9b: {  	s22 =	simm.s32 $0x1BFF;
	s21 =	sshll.u32 s6, $0x1;
	s3 =	sadd.s32 s4, s19  }
0x9c: {  	s7 =	simm.s32 $0x0;
	s20 =	sshll.u32 s5, $0x1;
	s5 =	sadd.s32 s21, s3  }
0x9d: {  	[timem:s7], [sflag:s22] =	dma.local [hbm:s5], s20  }
0x9e: {  	_ =	swait.ge [sflag:s22], s20  }
0x9f: {  	s4 =	ssub.s32 $0x0, s20;
	[sflag:s22] =	ssyncset.done $0x0  }
0xa0: {  	[sflag:s22] =	ssyncadd.s32 s4;
	_ =	sdelay $0x1  }
0xa1: {  	s23 =	simm.s32 $0x1B8B  }
0xa2: {  	_ =	swait.ge [sflag:s23], $0x1  }
0xa3: {  	[sflag:s23] =	ssyncset.done $0x0  }
0xa4: {  	s25 =	simm.s32 $0x1B8E;
	s24 =	sld [smem:$0x3FFE];
	[sflag:s23] =	ssyncadd.s32 $0xFFFFFFFF  }
0xa5: {  	s26 =	simm.s32 $execute0_lowered;
	[smem:$0x3FD2] =	sst s25  }
0xa6: {  	s5 =	sshll.u32 s26, $0x1;
	_ =	strace $0x80000046;
	[dreg:$0x1] =	wrdreg $0xFFFFFFFF  }
0xa7: {  	s28 =	simm.s32 $_size_execute0_lowered;
	s3 =	sadd.s32 s3, s5;
	[dreg:$0x0] =	wrdreg $0x0  }
0xa8: {  	s5 =	sshll.u32 s28, $0x1;
	[dreg:$0x2] =	wrdreg s3  }
0xa9: {  	[dreg:$0x3] =	wrdreg s5  }
0xaa: {  	[dreg:$0x4] =	wrdreg $0xC0  }
0xab: {  	_ =	task [dreg:s7], $0x5FFFF  }
0xac: {  	[dreg:$0x1] =	wrdreg $0xFFFFFFFF  }
0xad: {  	[dreg:$0x0] =	wrdreg $0x60  }
0xae: {  	[dreg:$0x2] =	wrdreg s2  }
0xaf: {  	[dreg:$0x3] =	wrdreg s24  }
0xb0: {  	[dreg:$0x4] =	wrdreg $0x9  }
0xb1: {  	_ =	task.clear_ibuf [dreg:s7], $0x5FFFF;
	_ =	strace $0x90000046  }
0xb2: {  	s29 =	simm.s32 $0x9;
	_ =	strace $0x80000048  }
0xb3: {  	_ =	swait.ge [sflag:s29], $0x1  }
0xb4: {  	[sflag:s29] =	ssyncadd.s32 $0xFFFFFFFF  }
0xb5: {  	_ =	strace $0x90000048  }
0xb6: {  	_ =	sfence  }
0xb7: {  	s30 =	sld [smem:$0x0];
	_ =	sdelay $0x2  }
0xb8: {  	s31 =	sshll.u32 s1, $0xD;
	s1 =	sshrl.u32 s1, $0x2  }
0xb9: {  	s3 =	sand.u32 $0x4000, s31;
	s1 =	sadd.s32 s1, s30  }
0xba: {  	s0 =	sor.u32 s3, s0;
	s1 =	sshll.u32 s1, $0x11  }
0xbb: {  	s0 =	sor.u32 s1, s0  }
0xbc: {  	s0 =	sadd.s32 $0x8F2B, s0  }
0xbd: {  	[sflag:s0] =	ssyncadd.remote.s32 $0x1  }
0xbe: {  	_ =	sfence.sel $0xFFFF  }
0xbf: {  	[dreg:$0x0] =	wrdreg $0xFFFFFFFF;
	(pc) =	sbr.abs _section_cstart, $3  }
0xc0: {  	[dreg:$0x1] =	wrdreg $0xFFFFFFFF  }
0xc1: {  	_ =	task.clear_ibuf [dreg:s7], $0x2FFFF;
	_ =	strace $0x9FFFFFFF  }
0xc2: {  	(tm) =	ssettm $0x7FFFFFFF  }
0xc3: {  	_ =	shalt  }
tec
execute0_lowered:
.L_overlay_start_1:
0x0: {  	(tag) =	ssettag $0x1  }
0x1: {  	s3 =	rddreg [dreg:$0x0]  }
0x2: {  	s5 =	rddreg [dreg:$0x1]  }
0x3: {  	s0 =	rddreg [dreg:$0x2]  }
0x4: {  	s4 =	srdreg.scid;
	s1 =	stileid.u32  }
0x5: {  	s2 =	simm.s32 $0x0;
	s9 =	simm.s32 $0x2;
	s10 =	simm.s32 $0x10000  }
0x6: {  	s11 =	simm.s32 $0x3;
	s12 =	simm.s32 $0x0;
	s4 =	sand.u32 $0x1, s4  }
0x7: {  	s6 =	sshll.u32 s1, $0x1;
	[smem:$0x7FF] =	sst s2;
	s7 =	ssub.s32 $0x2, s4  }
0x8: {  	s4 =	sor.u32 s4, s6;
	_ =	strace $0x80000047;
	s30 =	sshrl.u32 s7, $0x1  }
0x9: {  	s8 =	sshll.u32 s4, $0xD;
	s31 =	sshll.u32 s4, $0x4;
	s6 =	ssub.s32 s7, s30  }
0xa: {  	s3 =	sadd.s32 s3, s8;
	s5 =	sadd.s32 s5, s31;
	s7 =	simm.s32 $0x8000  }
0xb: {  	s8 =	simm.s32 $0x1;
	s4 =	sadd.s32 $0x1000, s3;
	s6 =	smax.u32 s6, $0x1  }
.LBB2_1:
0xc: {  	[tilespmem:s2], [sflag:$0x1] =	stream.linear.gather [hbm4b:s3+s2], $0x8000, $0x38;
	[tilespmem:$0x10080] =	vst v63  }
0xd: {  	_ = 	snop  }
0xe: {  	[tilespmem:s7], [sflag:$0x2] =	stream.linear.gather [hbm4b:s4+s2], $0x8000, $0x38;
	[tilespmem:$0x10080] =	vst v63  }
0xf: {  	_ =	swait.ge [sflag:s8], $0x8000  }
0x10: {  	[sflag:s8] =	ssyncset.done $0x0  }
0x11: {  	s14 =	simm.s32 $0x80;
	[sflag:s8] =	ssyncadd.s32 $0xFFFF8000  }
0x12: {  	v2 =	vld [tilespmem:s14+$0x0]  }
0x13: {  	v3 =	vld [tilespmem:s14+$0x10]  }
0x14: {  	v4 =	vld [tilespmem:s14+$0x20]  }
0x15: {  	v5 =	vld [tilespmem:s14+$0x30]  }
0x16: {  	v0 =	vld [tilespmem:s14+$0x40]  }
0x17: {  	v6 =	vld [tilespmem:s14+$0xFFFFFF80]  }
0x18: {  	v7 =	vld [tilespmem:s14+$0xFFFFFF90]  }
0x19: {  	v8 =	vld [tilespmem:s14+$0xFFFFFFA0]  }
0x1a: {  	v10 =	vld [tilespmem:s14+$0xFFFFFFB0]  }
0x1b: {  	v1 =	vld [tilespmem:s14+$0x50]  }
0x1c: {  	v14 =	vld [tilespmem:s14+$0xFFFFFFC0]  }
0x1d: {  	v17 =	vld [tilespmem:s14+$0xFFFFFFD0]  }
0x1e: {  	v9 =	vimm.f32 $0.0e+00;
	v15 =	vld [tilespmem:s14+$0xFFFFFFE0]  }
0x1f: {  	v13 =	vimm.f32 $0.0e+00;
	v18 =	vld [tilespmem:s14+$0xFFFFFFF0];
	v6 =	vadd.f32 v6, v9;
	v7 =	vadd.f32 v7, v9  }
0x20: {  	v11 =	vimm.f32 $0.0e+00;
	v16 =	vld [tilespmem:s14+$0x60];
	v20 =	vadd.f32 v8, v9;
	v21 =	vadd.f32 v10, v9  }
0x21: {  	s13 =	simm.s32 $0x0;
	v12 =	vimm.f32 $0.0e+00;
	v19 =	vld [tilespmem:s14+$0x70];
	s14 =	simm.s32 $0x180;
	v6 =	vadd.f32 v2, v6;
	v7 =	vadd.f32 v3, v7  }
.LBB2_2:
0x22: {  	v2 =	vld [tilespmem:s14+$0x0];
	v3 =	vadd.f32 v4, v20;
	v8 =	vadd.f32 v5, v21  }
0x23: {  	v9 =	vadd.f32 v14, v9;
	v13 =	vadd.f32 v17, v13;
	v10 =	vld [tilespmem:s14+$0x10]  }
0x24: {  	v11 =	vadd.f32 v15, v11;
	v4 =	vld [tilespmem:s14+$0x20];
	v12 =	vadd.f32 v18, v12  }
0x25: {  	v9 =	vadd.f32 v0, v9;
	v13 =	vadd.f32 v1, v13;
	v5 =	vld [tilespmem:s14+$0x30]  }
0x26: {  	v11 =	vadd.f32 v16, v11;
	v0 =	vld [tilespmem:s14+$0x40];
	v12 =	vadd.f32 v19, v12  }
0x27: {  	v1 =	vld [tilespmem:s14+$0x50]  }
0x28: {  	v16 =	vld [tilespmem:s14+$0xFFFFFF80]  }
0x29: {  	v18 =	vld [tilespmem:s14+$0xFFFFFF90]  }
0x2a: {  	v19 =	vld [tilespmem:s14+$0xFFFFFFA0]  }
0x2b: {  	s13 =	sadd.s32 $0x2, s13;
	v21 =	vld [tilespmem:s14+$0xFFFFFFB0]  }
0x2c: {  	p0 =	slt.u32 s13, $0xFE;
	v14 =	vld [tilespmem:s14+$0xFFFFFFC0]  }
.Ltmp0:
0x2d: {  	v17 =	vld [tilespmem:s14+$0xFFFFFFD0];
	(pc) =	sbr.rel @p0 .LBB2_2-.Ltmp0, $4  }
0x2e: {  	v15 =	vld [tilespmem:s14+$0xFFFFFFE0]  }
0x2f: {  	v6 =	vadd.f32 v16, v6;
	v7 =	vadd.f32 v18, v7;
	v18 =	vld [tilespmem:s14+$0xFFFFFFF0]  }
0x30: {  	v20 =	vadd.f32 v19, v3;
	v21 =	vadd.f32 v21, v8;
	v16 =	vld [tilespmem:s14+$0x60]  }
0x31: {  	v6 =	vadd.f32 v2, v6;
	v7 =	vadd.f32 v10, v7;
	v19 =	vld [tilespmem:s14+$0x70];
	s14 =	sadd.s32 $0x100, s14  }
0x32: {  	_ =	swait.ge [sflag:s9], $0x8000  }
0x33: {  	[sflag:s9] =	ssyncset.done $0x0  }
0x34: {  	s14 =	simm.s32 $0x8080;
	[sflag:s9] =	ssyncadd.s32 $0xFFFF8000  }
0x35: {  	v22 =	vld [tilespmem:s14+$0x0]  }
0x36: {  	v23 =	vld [tilespmem:s14+$0x10]  }
0x37: {  	v8 =	vld [tilespmem:s14+$0x20]  }
0x38: {  	v10 =	vld [tilespmem:s14+$0x30]  }
0x39: {  	v2 =	vld [tilespmem:s14+$0x40]  }
0x3a: {  	v3 =	vld [tilespmem:s14+$0x50]  }
0x3b: {  	v24 =	vld [tilespmem:s14+$0xFFFFFF80]  }
0x3c: {  	v25 =	vld [tilespmem:s14+$0xFFFFFF90]  }
0x3d: {  	v20 =	vadd.f32 v4, v20;
	v21 =	vadd.f32 v5, v21;
	v26 =	vld [tilespmem:s14+$0xFFFFFFA0]  }
0x3e: {  	v4 =	vadd.f32 v14, v9;
	v13 =	vadd.f32 v17, v13;
	v14 =	vld [tilespmem:s14+$0xFFFFFFB0]  }
0x3f: {  	v11 =	vadd.f32 v15, v11;
	v15 =	vadd.f32 v18, v12;
	v9 =	vld [tilespmem:s14+$0xFFFFFFC0]  }
0x40: {  	v5 =	vadd.f32 v0, v4;
	v4 =	vadd.f32 v1, v13;
	v12 =	vld [tilespmem:s14+$0xFFFFFFD0]  }
0x41: {  	v1 =	vadd.f32 v16, v11;
	v11 =	vld [tilespmem:s14+$0xFFFFFFE0];
	v0 =	vadd.f32 v19, v15  }
0x42: {  	v13 =	vld [tilespmem:s14+$0xFFFFFFF0];
	v6 =	vadd.f32 v24, v6;
	v7 =	vadd.f32 v25, v7  }
0x43: {  	v15 =	vld [tilespmem:s14+$0x70];
	v17 =	vadd.f32 v26, v20;
	v16 =	vadd.f32 v14, v21  }
0x44: {  	s13 =	simm.s32 $0x0;
	v14 =	vld [tilespmem:s14+$0x60];
	s14 =	simm.s32 $0x8180;
	v6 =	vadd.f32 v22, v6;
	v7 =	vadd.f32 v23, v7  }
.LBB2_4:
0x45: {  	v18 =	vld [tilespmem:s14+$0x0];
	v17 =	vadd.f32 v8, v17;
	v16 =	vadd.f32 v10, v16  }
0x46: {  	v5 =	vadd.f32 v9, v5;
	v4 =	vadd.f32 v12, v4;
	v19 =	vld [tilespmem:s14+$0x10]  }
0x47: {  	v1 =	vadd.f32 v11, v1;
	v8 =	vld [tilespmem:s14+$0x20];
	v0 =	vadd.f32 v13, v0  }
0x48: {  	v5 =	vadd.f32 v2, v5;
	v4 =	vadd.f32 v3, v4;
	v10 =	vld [tilespmem:s14+$0x30]  }
0x49: {  	v1 =	vadd.f32 v14, v1;
	v2 =	vld [tilespmem:s14+$0x40];
	v0 =	vadd.f32 v15, v0  }
0x4a: {  	v3 =	vld [tilespmem:s14+$0x50]  }
0x4b: {  	v13 =	vld [tilespmem:s14+$0xFFFFFF80]  }
0x4c: {  	v14 =	vld [tilespmem:s14+$0xFFFFFF90]  }
0x4d: {  	v15 =	vld [tilespmem:s14+$0xFFFFFFA0]  }
0x4e: {  	s13 =	sadd.s32 $0x2, s13;
	v20 =	vld [tilespmem:s14+$0xFFFFFFB0]  }
0x4f: {  	p0 =	slt.u32 s13, $0xFE;
	v9 =	vld [tilespmem:s14+$0xFFFFFFC0]  }
.Ltmp1:
0x50: {  	v12 =	vld [tilespmem:s14+$0xFFFFFFD0];
	(pc) =	sbr.rel @p0 .LBB2_4-.Ltmp1, $4  }
0x51: {  	v11 =	vld [tilespmem:s14+$0xFFFFFFE0]  }
0x52: {  	v6 =	vadd.f32 v13, v6;
	v7 =	vadd.f32 v14, v7;
	v13 =	vld [tilespmem:s14+$0xFFFFFFF0]  }
0x53: {  	v17 =	vadd.f32 v15, v17;
	v16 =	vadd.f32 v20, v16;
	v14 =	vld [tilespmem:s14+$0x60]  }
0x54: {  	v6 =	vadd.f32 v18, v6;
	v7 =	vadd.f32 v19, v7;
	v15 =	vld [tilespmem:s14+$0x70];
	s14 =	sadd.s32 $0x100, s14  }
0x55: {  	_ = 	snop  }
0x56: {  	v8 =	vadd.f32 v8, v17;
	v6 =	vadd.f32 v7, v6  }
0x57: {  	v62 =	vadd.f32 v10, v16  }
0x58: {  	v5 =	vadd.f32 v9, v5;
	v6 =	vadd.f32 v8, v6  }
0x59: {  	v4 =	vadd.f32 v12, v4  }
0x5a: {  	v2 =	vadd.f32 v2, v5;
	v63 =	vadd.f32 v62, v6  }
0x5b: {  	v1 =	vadd.f32 v11, v1  }
0x5c: {  	v3 =	vadd.f32 v3, v4;
	v2 =	vadd.f32 v2, v63  }
0x5d: {  	v0 =	vadd.f32 v13, v0  }
0x5e: {  	v1 =	vadd.f32 v14, v1;
	v2 =	vadd.f32 v3, v2;
	_ =	sdelay $0x1  }
0x5f: {  	v0 =	vadd.f32 v15, v0;
	v1 =	vadd.f32 v1, v2;
	_ =	sdelay $0x1  }
0x60: {  	s12 =	sadd.s32 $0x1, s12;
	v0 =	vadd.f32 v0, v1  }
0x61: {  	p0 =	sne.s32 s12, s6  }
.Ltmp2:
0x62: {  	[tilespmem:$0x10000] =	vst v0;
	(pc) =	sbr.rel @p0 .LBB2_1-.Ltmp2, $4  }
0x63: {  	[hbm4b:s5+s2] =	stream.linear.scatter [tilespmem:s10], [sflag:$0x3], $0x80, $0x38;
	[tilespmem:$0x10080] =	vst v63  }
0x64: {  	_ =	swait.ge [sflag:s11], $0x80  }
0x65: {  	[sflag:s11] =	ssyncset.done $0x0  }
0x66: {  	[sflag:s11] =	ssyncadd.s32 $0xFFFFFF80  }
0x67: {  	_ =	sfence.sel $0x180000  }
0x68: {  	[bflag:$0x0] =	sbarrier.arrive $0xFFFF  }
0x69: {  	p0 =	sne.s32 s1, $0x0;
	_ =	strace $0x90000047  }
0x6a: {  	s0 =	sadd.s32 @!p0 $0x100000, s0;
	[bflag:$0x2] =	sbarrier.arrive $0xFFFF  }
0x6b: {  	[sflag:s0] =	ssyncadd.tile.s32 @!p0 $0x1;
	_ =	shalt  }
.Lfunc_end2:
_tile_overlayer_lowered:
.L_overlay_start_2:
0x6c: {  	(tag) =	ssettag $0x2  }
0x6d: {  	s0 =	rddreg [dreg:$0x0];
	s2 =	stileid.u32  }
0x6e: {  	s1 =	rddreg [dreg:$0x1];
	p0 =	sne.s32 s2, $0x0  }
0x6f: {  	s3 =	rddreg [dreg:$0x2];
	[bflag:$0x3] =	sbarrier.arrive $0xFFFF;
	s2 =	simm.s32 @!p0 $0x1C03  }
0x70: {  	[timem:s3], [sflag:s2] =	dma.local @!p0 [hbm:s0], s1  }
0x71: {  	s0 =	simm.s32 @!p0 $0x3  }
0x72: {  	_ =	swait.ge @!p0 [sflag:s0], s1  }
0x73: {  	s1 =	ssub.s32 @!p0 $0x0, s1;
	[sflag:s0] =	ssyncset.done @!p0 $0x0  }
0x74: {  	[sflag:s0] =	ssyncadd.s32 @!p0 s1  }
0x75: {  	[bflag:$0x3] =	sbarrier.arrive $0xFFFF  }
0x76: {  	_ =	shalt  }

</sc_bundles>
